<compile_context>
chip_gen: v7x
topology: tpu7x:2x2x1
jax: 0.10.2.dev20260603
libtpu: 0.0.44.dev20260713+nightly
codegen_flags: <defaults>
</compile_context>

<pallas_src>
import functools

import jax
import jax.numpy as jnp
from jax.experimental import pallas as pl
from jax.experimental.pallas import tpu as pltpu

E = 64
TOP_K = 2
D_MODEL = 1024
D_FF = 512
S = 2048
P = S * TOP_K
T = 128

NT = (E - 1) + -(-(P - (E - 1)) // T)
PAD = NT * T


def _router_kernel(x_ref, gw_ref, idx_ref, w_ref):
    logits = jax.lax.dot_general(
        gw_ref[...], x_ref[...], (((1,), (1,)), ((), ())),
        preferred_element_type=jnp.float32)
    iota = jax.lax.broadcasted_iota(jnp.int32, logits.shape, 0)
    m1 = jnp.max(logits, axis=0, keepdims=True)
    i1 = jnp.min(jnp.where(logits == m1, iota, E), axis=0, keepdims=True)
    l2 = jnp.where(iota == i1, -jnp.inf, logits)
    m2 = jnp.max(l2, axis=0, keepdims=True)
    i2 = jnp.min(jnp.where(l2 == m2, iota, E), axis=0, keepdims=True)
    w1 = 1.0 / (1.0 + jnp.exp(m2 - m1))
    idx_ref[...] = jnp.concatenate([i1, i2], axis=0)
    w_ref[...] = jnp.concatenate([w1, 1.0 - w1], axis=0)


def _grouped_kernel(te_ref, nvalid_ref, stok_ref, scoef_ref,
                    x_ref, gup_ref, dw_ref, out_ref, g_ref, y_ref):
    i = pl.program_id(0)

    @pl.when(i == 0)
    def _init():
        out_ref[...] = jnp.zeros_like(out_ref)

    n = nvalid_ref[i]
    base = i * T

    def gather_body(j, _):
        tok = stok_ref[base + j]
        g_ref[pl.ds(j, 1), :] = x_ref[pl.ds(tok, 1), :]
        return 0

    jax.lax.fori_loop(0, n, gather_body, 0)

    h = jax.lax.dot_general(
        g_ref[...], gup_ref[0], (((1,), (0,)), ((), ())),
        preferred_element_type=jnp.float32)
    gate_h = h[:, :D_FF]
    up_h = h[:, D_FF:]
    act = gate_h * jax.lax.logistic(gate_h) * up_h
    y_ref[...] = jax.lax.dot_general(
        act, dw_ref[0], (((1,), (0,)), ((), ())),
        preferred_element_type=jnp.float32)

    def scatter_body(j, _):
        tok = stok_ref[base + j]
        c = scoef_ref[base + j]
        out_ref[pl.ds(tok, 1), :] += c * y_ref[pl.ds(j, 1), :]
        return 0

    jax.lax.fori_loop(0, n, scatter_body, 0)


@jax.jit
def _moe(x, gate_weight, gate_up_W, down_W):
    idx, w = pl.pallas_call(
        _router_kernel,
        in_specs=[
            pl.BlockSpec((S, D_MODEL), lambda: (0, 0)),
            pl.BlockSpec((E, D_MODEL), lambda: (0, 0)),
        ],
        out_specs=[
            pl.BlockSpec((TOP_K, S), lambda: (0, 0)),
            pl.BlockSpec((TOP_K, S), lambda: (0, 0)),
        ],
        out_shape=[
            jax.ShapeDtypeStruct((TOP_K, S), jnp.int32),
            jax.ShapeDtypeStruct((TOP_K, S), jnp.float32),
        ],
    )(x, gate_weight)

    e_pair = idx.T.reshape(P)
    c_pair = w.T.reshape(P)
    t_pair = (jnp.arange(P, dtype=jnp.int32) // TOP_K)

    onehot = (e_pair[:, None] == jnp.arange(E, dtype=jnp.int32)[None, :])
    counts = jnp.sum(onehot.astype(jnp.int32), axis=0)
    rank = jnp.take_along_axis(
        jnp.cumsum(onehot.astype(jnp.int32), axis=0), e_pair[:, None], axis=1
    )[:, 0] - 1
    tiles_per_e = -(-counts // T)
    tile_start = jnp.concatenate(
        [jnp.zeros((1,), jnp.int32), jnp.cumsum(tiles_per_e)[:-1]])
    slot = tile_start[e_pair] * T + rank

    slot_token = jnp.zeros((PAD,), jnp.int32).at[slot].set(t_pair)
    slot_coef = jnp.zeros((PAD,), jnp.float32).at[slot].set(c_pair)

    tile_ids = jnp.arange(NT, dtype=jnp.int32)
    tile_end = tile_start + tiles_per_e
    in_e = ((tile_ids[:, None] >= tile_start[None, :])
            & (tile_ids[:, None] < tile_end[None, :]))
    tile_expert = jnp.where(
        jnp.any(in_e, axis=1),
        jnp.argmax(in_e, axis=1).astype(jnp.int32), E - 1)
    nvalid = jnp.where(
        jnp.any(in_e, axis=1),
        jnp.clip(counts[tile_expert] - (tile_ids - tile_start[tile_expert]) * T,
                 0, T), 0).astype(jnp.int32)

    grid_spec = pltpu.PrefetchScalarGridSpec(
        num_scalar_prefetch=4,
        grid=(NT,),
        in_specs=[
            pl.BlockSpec((S, D_MODEL), lambda i, te, nv, st, sc: (0, 0)),
            pl.BlockSpec((1, D_MODEL, 2 * D_FF),
                         lambda i, te, nv, st, sc: (te[i], 0, 0)),
            pl.BlockSpec((1, D_FF, D_MODEL),
                         lambda i, te, nv, st, sc: (te[i], 0, 0)),
        ],
        out_specs=pl.BlockSpec((S, D_MODEL), lambda i, te, nv, st, sc: (0, 0)),
        scratch_shapes=[
            pltpu.VMEM((T, D_MODEL), jnp.float32),
            pltpu.VMEM((T, D_MODEL), jnp.float32),
        ],
    )
    out = pl.pallas_call(
        _grouped_kernel,
        grid_spec=grid_spec,
        out_shape=jax.ShapeDtypeStruct((S, D_MODEL), jnp.float32),
    )(tile_expert, nvalid, slot_token, slot_coef, x, gate_up_W, down_W)
    return out


def kernel(layer_input, gate_weight, gate_up_W, down_W):
    B, Sb, H = layer_input.shape
    x = layer_input.reshape(-1, H)
    out = _moe(x, gate_weight, gate_up_W, down_W)
    return out.reshape(B, Sb, H)

# --- scband reference (transcript-rebuilt; emitter-appended) ---
"""Pipeline reference for scband-hfscatter-mo-egated-mlp-35742717837900 (READ-ONLY COPY).

The authoritative reference and input builder live on the scoring server;
editing this copy changes nothing except your own understanding.
"""

import jax, jax.numpy as jnp
import numpy as np

E = 64
TOP_K = 2
D_MODEL = 1024
D_FF = 512
BATCH = 1
SEQ = 2048


def setup_inputs(seed: int = 0) -> dict:
    key = jax.random.key(seed)
    k0, k1, k2, k3 = jax.random.split(key, 4)
    layer_input = jax.random.normal(k0, (BATCH, SEQ, D_MODEL), dtype=jnp.float32)
    gate_weight = jax.random.normal(k1, (E, D_MODEL), dtype=jnp.float32) * 0.02
    gate_up_W = jax.random.normal(k2, (E, D_MODEL, 2 * D_FF), dtype=jnp.float32) * 0.02
    down_W = jax.random.normal(k3, (E, D_FF, D_MODEL), dtype=jnp.float32) * 0.02
    return {"layer_input": layer_input, "gate_weight": gate_weight, "gate_up_W": gate_up_W, "down_W": down_W}


def reference(layer_input, gate_weight, gate_up_W, down_W):
    B, S, H = layer_input.shape
    x = layer_input.reshape(-1, H)
    # router: F.linear(x, gate_weight)
    router_logits = x @ gate_weight.T
    routing_probs = jax.nn.softmax(router_logits.astype(jnp.float32), axis=1)
    routing_weights, selected_experts = jax.lax.top_k(routing_probs, TOP_K)
    # norm_topk_prob=True
    routing_weights = routing_weights / jnp.sum(routing_weights, axis=-1, keepdims=True)
    routing_weights = routing_weights.astype(x.dtype)
    out = jnp.zeros_like(x)
    for e in range(E):
        coef = jnp.sum(
            jnp.where(selected_experts == e, routing_weights, jnp.zeros_like(routing_weights)),
            axis=-1,
        )
        h = x @ gate_up_W[e]
        gate_h = h[:, :D_FF]
        up_h = h[:, D_FF:]
        act = jax.nn.silu(gate_h) * up_h
        y = act @ down_W[e]
        out = out + coef[:, None] * y
    return out.reshape(B, S, H)

if __name__ == "__main__":
    import jax
    _d = setup_inputs()
    print(jax.jit(kernel)(*tuple(_d.values())))

</pallas_src>

<mosaic_0001>
module attributes {stable_mosaic.version = 14 : i64} {
  func.func @_router_kernel(%arg0: memref<2048x1024xf32, #tpu.memory_space<vmem>>, %arg1: memref<64x1024xf32, #tpu.memory_space<vmem>>, %arg2: memref<2x2048xi32, #tpu.memory_space<vmem>>, %arg3: memref<2x2048xf32, #tpu.memory_space<vmem>>) attributes {dimension_semantics = [], scalar_prefetch = 0 : i64, scratch_operands = 0 : i64, tpu.core_type = #tpu.core_type<tc>} {
    %get3A = arith.constant 0 : index
    %get3A_0 = arith.constant 0 : index
    %get3A_1 = vector.load %arg1[%get3A, %get3A_0] : memref<64x1024xf32, #tpu.memory_space<vmem>>, vector<64x1024xf32>
    %get3A_2 = arith.constant 0 : index
    %get3A_3 = arith.constant 0 : index
    %get3A_4 = vector.load %arg0[%get3A_2, %get3A_3] : memref<2048x1024xf32, #tpu.memory_space<vmem>>, vector<2048x1024xf32>
    %dot_general3A = arith.constant dense<0.000000e+00> : vector<64x2048xf32>
    %dot_general3A_5 = tpu.matmul %get3A_1, %get3A_4, %dot_general3A {dimension_numbers = #tpu.dot_dimension_numbers<[1], [1], [0], [0], [0, 0, 1, 0], [], []>, transpose_lhs_hint = false} : vector<64x1024xf32>, vector<2048x1024xf32>, vector<64x2048xf32> -> vector<64x2048xf32>
    %iota3A = tpu.iota {dimensions = array<i32: 0>} : vector<64x2048xi32>
    %reduce_max3A = arith.constant dense<0xFF800000> : vector<2048xf32>
    %reduce_max3A_6 = vector.multi_reduction <maximumf>, %dot_general3A_5, %reduce_max3A [0] : vector<64x2048xf32> to vector<2048xf32>
    %broadcast_in_dim3A = vector.shape_cast %reduce_max3A_6 : vector<2048xf32> to vector<1x2048xf32>
    %eq3A = vector.broadcast %broadcast_in_dim3A : vector<1x2048xf32> to vector<64x2048xf32>
    %eq3A_7 = arith.cmpf oeq, %dot_general3A_5, %eq3A : vector<64x2048xf32>
    %jit3A = arith.constant 64 : i32
    %broadcast_in_dim3A_8 = vector.broadcast %jit3A : i32 to vector<64x2048xi32>
    %select_n3A = arith.select %eq3A_7, %iota3A, %broadcast_in_dim3A_8 : vector<64x2048xi1>, vector<64x2048xi32>
    %reduce_min3A = arith.constant dense<2147483647> : vector<2048xi32>
    %reduce_min3A_9 = vector.multi_reduction <minsi>, %select_n3A, %reduce_min3A [0] : vector<64x2048xi32> to vector<2048xi32>
    %broadcast_in_dim3A_10 = vector.shape_cast %reduce_min3A_9 : vector<2048xi32> to vector<1x2048xi32>
    %eq3A_11 = vector.broadcast %broadcast_in_dim3A_10 : vector<1x2048xi32> to vector<64x2048xi32>
    %eq3A_12 = arith.cmpi eq, %iota3A, %eq3A_11 : vector<64x2048xi32>
    %jit3A_13 = arith.constant 0xFF800000 : f32
    %broadcast_in_dim3A_14 = vector.broadcast %jit3A_13 : f32 to vector<64x2048xf32>
    %select_n3A_15 = arith.select %eq3A_12, %broadcast_in_dim3A_14, %dot_general3A_5 : vector<64x2048xi1>, vector<64x2048xf32>
    %reduce_max3A_16 = arith.constant dense<0xFF800000> : vector<2048xf32>
    %reduce_max3A_17 = vector.multi_reduction <maximumf>, %select_n3A_15, %reduce_max3A_16 [0] : vector<64x2048xf32> to vector<2048xf32>
    %broadcast_in_dim3A_18 = vector.shape_cast %reduce_max3A_17 : vector<2048xf32> to vector<1x2048xf32>
    %eq3A_19 = vector.broadcast %broadcast_in_dim3A_18 : vector<1x2048xf32> to vector<64x2048xf32>
    %eq3A_20 = arith.cmpf oeq, %select_n3A_15, %eq3A_19 : vector<64x2048xf32>
    %jit3A_21 = arith.constant 64 : i32
    %broadcast_in_dim3A_22 = vector.broadcast %jit3A_21 : i32 to vector<64x2048xi32>
    %select_n3A_23 = arith.select %eq3A_20, %iota3A, %broadcast_in_dim3A_22 : vector<64x2048xi1>, vector<64x2048xi32>
    %reduce_min3A_24 = arith.constant dense<2147483647> : vector<2048xi32>
    %reduce_min3A_25 = vector.multi_reduction <minsi>, %select_n3A_23, %reduce_min3A_24 [0] : vector<64x2048xi32> to vector<2048xi32>
    %broadcast_in_dim3A_26 = vector.shape_cast %reduce_min3A_25 : vector<2048xi32> to vector<1x2048xi32>
    %sub3A = arith.subf %broadcast_in_dim3A_18, %broadcast_in_dim3A : vector<1x2048xf32>
    %exp3A = math.exp %sub3A : vector<1x2048xf32>
    %add3A = arith.constant 1.000000e+00 : f32
    %add3A_27 = vector.broadcast %add3A : f32 to vector<1x2048xf32>
    %add3A_28 = arith.addf %add3A_27, %exp3A : vector<1x2048xf32>
    %div3A = arith.constant 1.000000e+00 : f32
    %div3A_29 = vector.broadcast %div3A : f32 to vector<1x2048xf32>
    %div3A_30 = arith.divf %div3A_29, %add3A_28 : vector<1x2048xf32>
    %concatenate3A = tpu.concatenate %broadcast_in_dim3A_10, %broadcast_in_dim3A_26 in 0 : vector<1x2048xi32>, vector<1x2048xi32> -> vector<2x2048xi32>
    %swap3A = arith.constant 0 : index
    %swap3A_31 = arith.constant 0 : index
    %swap3A_32 = vector.load %arg2[%swap3A, %swap3A_31] : memref<2x2048xi32, #tpu.memory_space<vmem>>, vector<2x2048xi32>
    tpu.vector_store %arg2[%swap3A, %swap3A_31], %concatenate3A {strides = array<i32>} : memref<2x2048xi32, #tpu.memory_space<vmem>>, vector<2x2048xi32>,
    %sub3A_33 = arith.constant 1.000000e+00 : f32
    %sub3A_34 = vector.broadcast %sub3A_33 : f32 to vector<1x2048xf32>
    %sub3A_35 = arith.subf %sub3A_34, %div3A_30 : vector<1x2048xf32>
    %concatenate3A_36 = tpu.concatenate %div3A_30, %sub3A_35 in 0 : vector<1x2048xf32>, vector<1x2048xf32> -> vector<2x2048xf32>
    %swap3A_37 = arith.constant 0 : index
    %swap3A_38 = arith.constant 0 : index
    %swap3A_39 = vector.load %arg3[%swap3A_37, %swap3A_38] : memref<2x2048xf32, #tpu.memory_space<vmem>>, vector<2x2048xf32>
    tpu.vector_store %arg3[%swap3A_37, %swap3A_38], %concatenate3A_36 {strides = array<i32>} : memref<2x2048xf32, #tpu.memory_space<vmem>>, vector<2x2048xf32>,
    return
  }
}

module attributes {stable_mosaic.version = 14 : i64} {
  func.func @_grouped_kernel(%arg0: i32, %arg1: memref<95xi32, #tpu.memory_space<smem>>, %arg2: memref<95xi32, #tpu.memory_space<smem>>, %arg3: memref<12160xi32, #tpu.memory_space<smem>>, %arg4: memref<12160xf32, #tpu.memory_space<smem>>, %arg5: memref<2048x1024xf32, #tpu.memory_space<vmem>>, %arg6: memref<1x1024x1024xf32, #tpu.memory_space<vmem>>, %arg7: memref<1x512x1024xf32, #tpu.memory_space<vmem>>, %arg8: memref<2048x1024xf32, #tpu.memory_space<vmem>>, %arg9: memref<128x1024xf32, #tpu.memory_space<vmem>>, %arg10: memref<128x1024xf32, #tpu.memory_space<vmem>>) attributes {dimension_semantics = [#tpu.dimension_semantics<arbitrary>], iteration_bounds = array<i64: 95>, scalar_prefetch = 4 : i64, scratch_operands = 2 : i64, tpu.core_type = #tpu.core_type<tc>, window_params = [{pipeline_mode = #tpu.pipeline_mode<synchronous>, transform_indices = @transform_0, window_bounds = array<i64: 2048, 1024>}, {transform_indices = @transform_1, window_bounds = array<i64: 1, 1024, 1024>}, {transform_indices = @transform_2, window_bounds = array<i64: 1, 512, 1024>}, {pipeline_mode = #tpu.pipeline_mode<synchronous>, transform_indices = @transform_3, window_bounds = array<i64: 2048, 1024>}]} {
    %eq3A = arith.constant 0 : i32
    %eq3A_0 = arith.cmpi eq, %arg0, %eq3A : i32
    %convert_element_type3A = arith.extui %eq3A_0 : i1 to i32
    %cond3A = arith.constant 0 : i32
    %cond3A_1 = arith.cmpi ne, %convert_element_type3A, %cond3A : i32
    scf.if %cond3A_1 {
      %broadcast_in_dim3A = arith.constant 0.000000e+00 : f32
      %broadcast_in_dim3A_53 = vector.broadcast %broadcast_in_dim3A : f32 to vector<2048x1024xf32>
      %swap3A_54 = arith.constant 0 : index
      %swap3A_55 = arith.constant 0 : index
      %swap3A_56 = vector.load %arg8[%swap3A_54, %swap3A_55] : memref<2048x1024xf32, #tpu.memory_space<vmem>>, vector<2048x1024xf32>
      tpu.vector_store %arg8[%swap3A_54, %swap3A_55], %broadcast_in_dim3A_53 {strides = array<i32>} : memref<2048x1024xf32, #tpu.memory_space<vmem>>, vector<2048x1024xf32>,
    } else {
    }
    %get3A = arith.index_cast %arg0 : i32 to index
    %get3A_2 = memref.load %arg2[%get3A] : memref<95xi32, #tpu.memory_space<smem>>
    %mul3A = arith.constant 128 : i32
    %mul3A_3 = arith.muli %arg0, %mul3A : i32
    %while3A = arith.constant 0 : i32
    %while3A_4 = arith.constant 0 : i32
    %while3A_5 = arith.subi %get3A_2, %while3A : i32
    %while3A_6 = arith.addi %while3A, %while3A_5 : i32
    %while3A_7 = arith.constant 1 : i32
    %while3A_8 = arith.divsi %while3A_5, %while3A_7 : i32
    %while3A_9 = arith.muli %while3A_8, %while3A_7 : i32
    %while3A_10 = arith.addi %while3A, %while3A_9 : i32
    %while3A_11 = arith.constant 1 : i32
    %while3A_12 = scf.for %while3A_53 = %while3A to %while3A_10 step %while3A_11 iter_args(%while3A_54 = %while3A_4) -> (i32)  : i32 {
      %add3A = arith.addi %mul3A_3, %while3A_53 : i32
      %get3A_55 = arith.index_cast %add3A : i32 to index
      %get3A_56 = memref.load %arg3[%get3A_55] : memref<12160xi32, #tpu.memory_space<smem>>
      %get3A_57 = arith.index_cast %get3A_56 : i32 to index
      %get3A_58 = arith.constant 0 : index
      %get3A_59 = vector.load %arg5[%get3A_57, %get3A_58] : memref<2048x1024xf32, #tpu.memory_space<vmem>>, vector<1x1024xf32>
      %swap3A_60 = arith.index_cast %while3A_53 : i32 to index
      %swap3A_61 = arith.constant 0 : index
      %swap3A_62 = vector.load %arg9[%swap3A_60, %swap3A_61] : memref<128x1024xf32, #tpu.memory_space<vmem>>, vector<1x1024xf32>
      tpu.vector_store %arg9[%swap3A_60, %swap3A_61], %get3A_59 {strides = array<i32>} : memref<128x1024xf32, #tpu.memory_space<vmem>>, vector<1x1024xf32>,
      %while3A_63 = arith.constant 0 : i32
      scf.yield %while3A_63 : i32
    }
    %while3A_13 = arith.constant 1 : i32
    %while3A_14 = scf.for %while3A_53 = %while3A_10 to %while3A_6 step %while3A_13 iter_args(%while3A_54 = %while3A_12) -> (i32)  : i32 {
      %add3A = arith.addi %mul3A_3, %while3A_53 : i32
      %get3A_55 = arith.index_cast %add3A : i32 to index
      %get3A_56 = memref.load %arg3[%get3A_55] : memref<12160xi32, #tpu.memory_space<smem>>
      %get3A_57 = arith.index_cast %get3A_56 : i32 to index
      %get3A_58 = arith.constant 0 : index
      %get3A_59 = vector.load %arg5[%get3A_57, %get3A_58] : memref<2048x1024xf32, #tpu.memory_space<vmem>>, vector<1x1024xf32>
      %swap3A_60 = arith.index_cast %while3A_53 : i32 to index
      %swap3A_61 = arith.constant 0 : index
      %swap3A_62 = vector.load %arg9[%swap3A_60, %swap3A_61] : memref<128x1024xf32, #tpu.memory_space<vmem>>, vector<1x1024xf32>
      tpu.vector_store %arg9[%swap3A_60, %swap3A_61], %get3A_59 {strides = array<i32>} : memref<128x1024xf32, #tpu.memory_space<vmem>>, vector<1x1024xf32>,
      %while3A_63 = arith.constant 0 : i32
      scf.yield %while3A_63 : i32
    }
    %get3A_15 = arith.constant 0 : index
    %get3A_16 = arith.constant 0 : index
    %get3A_17 = vector.load %arg9[%get3A_15, %get3A_16] : memref<128x1024xf32, #tpu.memory_space<vmem>>, vector<128x1024xf32>
    %get3A_18 = arith.constant 0 : index
    %get3A_19 = arith.constant 0 : index
    %get3A_20 = arith.constant 0 : index
    %get3A_21 = vector.load %arg6[%get3A_18, %get3A_19, %get3A_20] : memref<1x1024x1024xf32, #tpu.memory_space<vmem>>, vector<1x1024x1024xf32>
    %get3A_22 = vector.shape_cast %get3A_21 : vector<1x1024x1024xf32> to vector<1024x1024xf32>
    %dot_general3A = arith.constant dense<0.000000e+00> : vector<128x1024xf32>
    %dot_general3A_23 = tpu.matmul %get3A_17, %get3A_22, %dot_general3A {dimension_numbers = #tpu.dot_dimension_numbers<[1], [0], [0], [1], [0, 0, 1, 1], [], []>, transpose_lhs_hint = false} : vector<128x1024xf32>, vector<1024x1024xf32>, vector<128x1024xf32> -> vector<128x1024xf32>
    %slice3A = vector.extract_strided_slice %dot_general3A_23 {offsets = [0, 0], sizes = [128, 512], strides = [1, 1]} : vector<128x1024xf32> to vector<128x512xf32>
    %slice3A_24 = vector.extract_strided_slice %dot_general3A_23 {offsets = [0, 512], sizes = [128, 512], strides = [1, 1]} : vector<128x1024xf32> to vector<128x512xf32>
    %logistic3A = arith.negf %slice3A : vector<128x512xf32>
    %logistic3A_25 = math.exp %logistic3A : vector<128x512xf32>
    %logistic3A_26 = arith.constant 1.000000e+00 : f32
    %logistic3A_27 = vector.broadcast %logistic3A_26 : f32 to vector<128x512xf32>
    %logistic3A_28 = arith.addf %logistic3A_27, %logistic3A_25 : vector<128x512xf32>
    %logistic3A_29 = arith.divf %logistic3A_27, %logistic3A_28 : vector<128x512xf32>
    %mul3A_30 = arith.mulf %slice3A, %logistic3A_29 : vector<128x512xf32>
    %mul3A_31 = arith.mulf %mul3A_30, %slice3A_24 : vector<128x512xf32>
    %get3A_32 = arith.constant 0 : index
    %get3A_33 = arith.constant 0 : index
    %get3A_34 = arith.constant 0 : index
    %get3A_35 = vector.load %arg7[%get3A_32, %get3A_33, %get3A_34] : memref<1x512x1024xf32, #tpu.memory_space<vmem>>, vector<1x512x1024xf32>
    %get3A_36 = vector.shape_cast %get3A_35 : vector<1x512x1024xf32> to vector<512x1024xf32>
    %dot_general3A_37 = arith.constant dense<0.000000e+00> : vector<128x1024xf32>
    %dot_general3A_38 = tpu.matmul %mul3A_31, %get3A_36, %dot_general3A_37 {dimension_numbers = #tpu.dot_dimension_numbers<[1], [0], [0], [1], [0, 0, 1, 1], [], []>, transpose_lhs_hint = false} : vector<128x512xf32>, vector<512x1024xf32>, vector<128x1024xf32> -> vector<128x1024xf32>
    %swap3A = arith.constant 0 : index
    %swap3A_39 = arith.constant 0 : index
    %swap3A_40 = vector.load %arg10[%swap3A, %swap3A_39] : memref<128x1024xf32, #tpu.memory_space<vmem>>, vector<128x1024xf32>
    tpu.vector_store %arg10[%swap3A, %swap3A_39], %dot_general3A_38 {strides = array<i32>} : memref<128x1024xf32, #tpu.memory_space<vmem>>, vector<128x1024xf32>,
    %while3A_41 = arith.constant 0 : i32
    %while3A_42 = arith.constant 0 : i32
    %while3A_43 = arith.subi %get3A_2, %while3A_41 : i32
    %while3A_44 = arith.addi %while3A_41, %while3A_43 : i32
    %while3A_45 = arith.constant 1 : i32
    %while3A_46 = arith.divsi %while3A_43, %while3A_45 : i32
    %while3A_47 = arith.muli %while3A_46, %while3A_45 : i32
    %while3A_48 = arith.addi %while3A_41, %while3A_47 : i32
    %while3A_49 = arith.constant 1 : i32
    %while3A_50 = scf.for %while3A_53 = %while3A_41 to %while3A_48 step %while3A_49 iter_args(%while3A_54 = %while3A_42) -> (i32)  : i32 {
      %add3A = arith.addi %mul3A_3, %while3A_53 : i32
      %get3A_55 = arith.index_cast %add3A : i32 to index
      %get3A_56 = memref.load %arg3[%get3A_55] : memref<12160xi32, #tpu.memory_space<smem>>
      %add3A_57 = arith.addi %mul3A_3, %while3A_53 : i32
      %get3A_58 = arith.index_cast %add3A_57 : i32 to index
      %get3A_59 = memref.load %arg4[%get3A_58] : memref<12160xf32, #tpu.memory_space<smem>>
      %get3A_60 = arith.index_cast %get3A_56 : i32 to index
      %get3A_61 = arith.constant 0 : index
      %get3A_62 = vector.load %arg8[%get3A_60, %get3A_61] : memref<2048x1024xf32, #tpu.memory_space<vmem>>, vector<1x1024xf32>
      %get3A_63 = arith.index_cast %while3A_53 : i32 to index
      %get3A_64 = arith.constant 0 : index
      %get3A_65 = vector.load %arg10[%get3A_63, %get3A_64] : memref<128x1024xf32, #tpu.memory_space<vmem>>, vector<1x1024xf32>
      %mul3A_66 = vector.broadcast %get3A_59 : f32 to vector<1x1024xf32>
      %mul3A_67 = arith.mulf %mul3A_66, %get3A_65 : vector<1x1024xf32>
      %add3A_68 = arith.addf %get3A_62, %mul3A_67 : vector<1x1024xf32>
      %swap3A_69 = arith.index_cast %get3A_56 : i32 to index
      %swap3A_70 = arith.constant 0 : index
      %swap3A_71 = vector.load %arg8[%swap3A_69, %swap3A_70] : memref<2048x1024xf32, #tpu.memory_space<vmem>>, vector<1x1024xf32>
      tpu.vector_store %arg8[%swap3A_69, %swap3A_70], %add3A_68 {strides = array<i32>} : memref<2048x1024xf32, #tpu.memory_space<vmem>>, vector<1x1024xf32>,
      %while3A_72 = arith.constant 0 : i32
      scf.yield %while3A_72 : i32
    }
    %while3A_51 = arith.constant 1 : i32
    %while3A_52 = scf.for %while3A_53 = %while3A_48 to %while3A_44 step %while3A_51 iter_args(%while3A_54 = %while3A_50) -> (i32)  : i32 {
      %add3A = arith.addi %mul3A_3, %while3A_53 : i32
      %get3A_55 = arith.index_cast %add3A : i32 to index
      %get3A_56 = memref.load %arg3[%get3A_55] : memref<12160xi32, #tpu.memory_space<smem>>
      %add3A_57 = arith.addi %mul3A_3, %while3A_53 : i32
      %get3A_58 = arith.index_cast %add3A_57 : i32 to index
      %get3A_59 = memref.load %arg4[%get3A_58] : memref<12160xf32, #tpu.memory_space<smem>>
      %get3A_60 = arith.index_cast %get3A_56 : i32 to index
      %get3A_61 = arith.constant 0 : index
      %get3A_62 = vector.load %arg8[%get3A_60, %get3A_61] : memref<2048x1024xf32, #tpu.memory_space<vmem>>, vector<1x1024xf32>
      %get3A_63 = arith.index_cast %while3A_53 : i32 to index
      %get3A_64 = arith.constant 0 : index
      %get3A_65 = vector.load %arg10[%get3A_63, %get3A_64] : memref<128x1024xf32, #tpu.memory_space<vmem>>, vector<1x1024xf32>
      %mul3A_66 = vector.broadcast %get3A_59 : f32 to vector<1x1024xf32>
      %mul3A_67 = arith.mulf %mul3A_66, %get3A_65 : vector<1x1024xf32>
      %add3A_68 = arith.addf %get3A_62, %mul3A_67 : vector<1x1024xf32>
      %swap3A_69 = arith.index_cast %get3A_56 : i32 to index
      %swap3A_70 = arith.constant 0 : index
      %swap3A_71 = vector.load %arg8[%swap3A_69, %swap3A_70] : memref<2048x1024xf32, #tpu.memory_space<vmem>>, vector<1x1024xf32>
      tpu.vector_store %arg8[%swap3A_69, %swap3A_70], %add3A_68 {strides = array<i32>} : memref<2048x1024xf32, #tpu.memory_space<vmem>>, vector<1x1024xf32>,
      %while3A_72 = arith.constant 0 : i32
      scf.yield %while3A_72 : i32
    }
    return
  }
  func.func @transform_0(%arg0: i32, %arg1: memref<95xi32, #tpu.memory_space<smem>>, %arg2: memref<95xi32, #tpu.memory_space<smem>>, %arg3: memref<12160xi32, #tpu.memory_space<smem>>, %arg4: memref<12160xf32, #tpu.memory_space<smem>>) -> (i32, i32) {
    %c0_i32 = arith.constant 0 : i32
    %c0_i32_0 = arith.constant 0 : i32
    %c0_i32_1 = arith.constant 0 : i32
    return %c0_i32, %c0_i32_0 : i32, i32
  }
  func.func @transform_1(%arg0: i32, %arg1: memref<95xi32, #tpu.memory_space<smem>>, %arg2: memref<95xi32, #tpu.memory_space<smem>>, %arg3: memref<12160xi32, #tpu.memory_space<smem>>, %arg4: memref<12160xf32, #tpu.memory_space<smem>>) -> (i32, i32, i32) {
    %get3A = arith.index_cast %arg0 : i32 to index
    %get3A_0 = memref.load %arg1[%get3A] : memref<95xi32, #tpu.memory_space<smem>>
    %c0_i32 = arith.constant 0 : i32
    %c0_i32_1 = arith.constant 0 : i32
    %c0_i32_2 = arith.constant 0 : i32
    return %get3A_0, %c0_i32, %c0_i32_1 : i32, i32, i32
  }
  func.func @transform_2(%arg0: i32, %arg1: memref<95xi32, #tpu.memory_space<smem>>, %arg2: memref<95xi32, #tpu.memory_space<smem>>, %arg3: memref<12160xi32, #tpu.memory_space<smem>>, %arg4: memref<12160xf32, #tpu.memory_space<smem>>) -> (i32, i32, i32) {
    %get3A = arith.index_cast %arg0 : i32 to index
    %get3A_0 = memref.load %arg1[%get3A] : memref<95xi32, #tpu.memory_space<smem>>
    %c0_i32 = arith.constant 0 : i32
    %c0_i32_1 = arith.constant 0 : i32
    %c0_i32_2 = arith.constant 0 : i32
    return %get3A_0, %c0_i32, %c0_i32_1 : i32, i32, i32
  }
  func.func @transform_3(%arg0: i32, %arg1: memref<95xi32, #tpu.memory_space<smem>>, %arg2: memref<95xi32, #tpu.memory_space<smem>>, %arg3: memref<12160xi32, #tpu.memory_space<smem>>, %arg4: memref<12160xf32, #tpu.memory_space<smem>>) -> (i32, i32) {
    %c0_i32 = arith.constant 0 : i32
    %c0_i32_0 = arith.constant 0 : i32
    %c0_i32_1 = arith.constant 0 : i32
    return %c0_i32, %c0_i32_0 : i32, i32
  }
}

</mosaic_0001>

<sc_bundles>
// kernel: gather_offload_async_start
scs
__scs_entry_jumppad:
0x0: {  	(pc) =	sbr.rel $0x88, $3  }
0x1: {  	(tag) =	ssettag $0x0;
	lr =	simm.s32 $0x1  }
0x2: {  	[smem:$0x3F9D] =	sst lr;
	_ =	strace $0xD0000000  }
0x3: {  	_ = 	snop  }
0x4: {  	_ = 	snop  }
0x5: {  	_ = 	snop  }
0x6: {  	_ = 	snop  }
0x7: {  	_ = 	snop  }
__scs_overlays_trampoline_lowered:
0x8: {  	[smem:$0x3FAC] =	sst s0  }
0x9: {  	[smem:$0x3FAD] =	sst s1  }
0xa: {  	[smem:$0x3FAE] =	sst s2  }
0xb: {  	[smem:$0x3FAF] =	sst s3  }
0xc: {  	[smem:$0x3FB0] =	sst s4  }
0xd: {  	[smem:$0x3FB1] =	sst s5  }
0xe: {  	[smem:$0x3FB2] =	sst s6  }
0xf: {  	[smem:$0x3FB3] =	sst s7  }
0x10: {  	[smem:$0x3FB4] =	sst s8  }
0x11: {  	[smem:$0x3FB5] =	sst s9;
	s0 =	simm.s32 @!p0 $0x0  }
0x12: {  	s1 =	sld [smem:$0x3F9B];
	s0 =	simm.s32 @p0 $0x1  }
0x13: {  	[smem:$0x3FB6] =	sst s0;
	s0 =	simm.s32 @!p1 $0x0  }
0x14: {  	s2 =	sld [smem:$0x3F9A];
	s0 =	simm.s32 @p1 $0x1  }
0x15: {  	[smem:$0x3FB7] =	sst s0;
	s0 =	simm.s32 @!p2 $0x0  }
0x16: {  	s3 =	sld [smem:$0x3FDB];
	s0 =	simm.s32 @p2 $0x1  }
0x17: {  	s4 =	simm.s32 $0x1BF5;
	[smem:$0x3FB9] =	sst s0  }
0x18: {  	s0 =	sld [smem:$0x3F9C];
	_ =	swait.ge [sflag:s4], $0x0  }
0x19: {  	s7 =	sld [smem:$0x3F9D]  }
0x1a: {  	s8 =	sadd.s32 $0xFFFFE003, lr  }
0x1b: {  	s9 =	sadd.s32 $0xFFFFFEF7, lr;
	s5 =	simm.s32 $0xFFFFFFFF;
	p2 =	slt.u32 s8, $0xFFFFF086  }
0x1c: {  	p1 =	slt.u32 s9, $0xF7A;
	s5 =	simm.s32 @!p2 $0x0  }
0x1d: {  	s5 =	simm.s32 @p1 $0x1;
	p0 =	seq.s32 s7, s2  }
0x1e: {  	s7 =	smul.u32 @!p0 $0xF7A, s2;
	p2 =	seq.s32 @!p0 s5, $0x0  }
0x1f: {  	s9 =	smul.u32 $0xF7A, s1;
	s8 =	simm.s32 @!p0 $0x1BF5;
	p2 =	por !p2, p0  }
0x20: {  	[sflag:s8] =	ssyncset.s32 @!p0 $0xFFFFF086;
	s6 =	sadd.s32 @!p0 s3, s7;
	s7 =	simm.s32 @!p0 $0x108  }
0x21: {  	s3 =	sadd.s32 s3, s9;
	s6 =	sadd.s32 @!p0 $0x88, s6;
	s7 =	simm.s32 @p2 $0x1082  }
0x22: {  	[simem:s7], [sflag:s8] =	dma.local @!p0 [hbm:s6], $0xF7A  }
0x23: {  	s9 =	sor.u32 $0xD0000000, s2;
	s6 =	simm.s32 $0x108;
	_ =	swait.ge @!p0 [sflag:s8], $0x0  }
0x24: {  	s3 =	sadd.s32 $0x88, s3;
	s6 =	simm.s32 @!p1 $0x1082;
	[sflag:s4] =	ssyncset.s32 $0xFFFFF086  }
0x25: {  	[simem:s6], [sflag:s4] =	dma.local [hbm:s3], $0xF7A  }
0x26: {  	[smem:$0x3F9D] =	sst s1;
	(tag) =	ssettag s2;
	_ =	strace s9  }
0x27: {  	s1 =	sld [smem:$0x3FAD]  }
0x28: {  	s2 =	sld [smem:$0x3FAE]  }
0x29: {  	s4 =	sld [smem:$0x3FB0]  }
0x2a: {  	p0 =	seq.s32 s5, $0x0;
	s5 =	sld [smem:$0x3FB1]  }
0x2b: {  	s6 =	sld [smem:$0x3FB2]  }
0x2c: {  	s7 =	sld [smem:$0x3FB3]  }
0x2d: {  	s3 =	simm.s32 $0x108;
	s8 =	sld [smem:$0x3FB4]  }
0x2e: {  	s3 =	simm.s32 @!p0 $0x1082;
	s9 =	sld [smem:$0x3FB5]  }
0x2f: {  	lr =	sadd.s32 s0, s3;
	s0 =	sld [smem:$0x3FAC]  }
0x30: {  	s3 =	sld [smem:$0x3FAF]  }
0x31: {  	[smem:$0x3FB8] =	sst s10  }
0x32: {  	s10 =	sld [smem:$0x3FB6];
	_ =	sdelay $0x3  }
0x33: {  	p0 =	seq.s32 s10, $0x1;
	s10 =	sld [smem:$0x3FB8];
	_ =	sdelay $0x3  }
0x34: {  	[smem:$0x3FB8] =	sst s10  }
0x35: {  	s10 =	sld [smem:$0x3FB7];
	_ =	sdelay $0x3  }
0x36: {  	p1 =	seq.s32 s10, $0x1;
	s10 =	sld [smem:$0x3FB8];
	_ =	sdelay $0x3  }
0x37: {  	[smem:$0x3FB8] =	sst s10  }
0x38: {  	s10 =	sld [smem:$0x3FB9]  }
0x39: {  	_ = 	snop;
	(pc) =	sbr.ind lr, $3  }
0x3a: {  	_ = 	snop  }
0x3b: {  	_ = 	snop  }
0x3c: {  	p2 =	seq.s32 s10, $0x1;
	s10 =	sld [smem:$0x3FB8]  }
0x3d: {  	_ =	shalt  }
0x3e: {  	_ =	shalt  }
0x3f: {  	_ =	shalt  }
0x40: {  	_ =	shalt  }
0x41: {  	_ =	shalt  }
0x42: {  	_ =	shalt  }
0x43: {  	_ =	shalt  }
0x44: {  	_ =	shalt  }
0x45: {  	_ =	shalt  }
0x46: {  	_ =	shalt  }
0x47: {  	_ =	shalt  }
0x48: {  	_ =	shalt  }
0x49: {  	_ =	shalt  }
0x4a: {  	_ =	shalt  }
0x4b: {  	_ =	shalt  }
0x4c: {  	_ =	shalt  }
0x4d: {  	_ =	shalt  }
0x4e: {  	_ =	shalt  }
0x4f: {  	_ =	shalt  }
0x50: {  	_ =	shalt  }
0x51: {  	_ =	shalt  }
0x52: {  	_ =	shalt  }
0x53: {  	_ =	shalt  }
0x54: {  	_ =	shalt  }
0x55: {  	_ =	shalt  }
0x56: {  	_ =	shalt  }
0x57: {  	_ =	shalt  }
0x58: {  	_ =	shalt  }
0x59: {  	_ =	shalt  }
0x5a: {  	_ =	shalt  }
0x5b: {  	_ =	shalt  }
0x5c: {  	_ =	shalt  }
0x5d: {  	_ =	shalt  }
0x5e: {  	_ =	shalt  }
0x5f: {  	_ =	shalt  }
0x60: {  	_ =	shalt  }
0x61: {  	_ =	shalt  }
0x62: {  	_ =	shalt  }
0x63: {  	_ =	shalt  }
0x64: {  	_ =	shalt  }
0x65: {  	_ =	shalt  }
0x66: {  	_ =	shalt  }
0x67: {  	_ =	shalt  }
0x68: {  	_ =	shalt  }
0x69: {  	_ =	shalt  }
0x6a: {  	_ =	shalt  }
0x6b: {  	_ =	shalt  }
0x6c: {  	_ =	shalt  }
0x6d: {  	_ =	shalt  }
0x6e: {  	_ =	shalt  }
0x6f: {  	_ =	shalt  }
0x70: {  	_ =	shalt  }
0x71: {  	_ =	shalt  }
0x72: {  	_ =	shalt  }
0x73: {  	_ =	shalt  }
0x74: {  	_ =	shalt  }
0x75: {  	_ =	shalt  }
0x76: {  	_ =	shalt  }
0x77: {  	_ =	shalt  }
0x78: {  	_ =	shalt  }
0x79: {  	_ =	shalt  }
0x7a: {  	_ =	shalt  }
0x7b: {  	_ =	shalt  }
0x7c: {  	_ =	shalt  }
0x7d: {  	_ =	shalt  }
0x7e: {  	_ =	shalt  }
0x7f: {  	_ =	shalt  }
0x80: {  	_ =	shalt  }
0x81: {  	_ =	shalt  }
0x82: {  	_ =	shalt  }
0x83: {  	_ =	shalt  }
0x84: {  	_ =	shalt  }
0x85: {  	_ =	shalt  }
0x86: {  	_ =	shalt  }
0x87: {  	_ =	shalt  }
.Lfunc_end0:
.L_simem_size_0:
called_computation_lowered:
.L_overlay_start_0:
0x88: {  	s2 =	sld [smem:$0x3FD9]  }
0x89: {  	s3 =	sld [smem:$0x3FFE];
	_ =	sdelay $0x1  }
0x8a: {  	s1 =	srdreg.scid  }
0x8b: {  	s0 =	sand.u32 $0x1, s1  }
0x8c: {  	s17 =	sshll.u32 s0, $0xA;
	s2 =	sadd.s32 s3, s2  }
0x8d: {  	s2 =	sadd.s32 s2, s17  }
0x8e: {  	[smem:$0x3FC4] =	sst s2  }
0x8f: {  	_ = 	snop  }
0x90: {  	s2 =	sld [smem:$0x3FD0];
	(tm) =	ssettm $0x1  }
0x91: {  	s18 =	sld [smem:$0x3FFB];
	_ =	sdelay $0x3  }
0x92: {  	_ =	strace s18  }
0x93: {  	s3 =	sld [smem:$0x3FFC];
	_ =	sdelay $0x3  }
0x94: {  	_ =	strace s3  }
0x95: {  	s3 =	sld [smem:$0x3FFD];
	_ =	sdelay $0x3  }
0x96: {  	_ =	strace s3  }
0x97: {  	_ =	strace $0x8FFFFFFF  }
0x98: {  	s19 =	sld [smem:$0x3FDB];
	_ =	sdelay $0x1  }
0x99: {  	s4 =	simm.s32 $_scs_section_size  }
0x9a: {  	s5 =	simm.s32 $_size__tile_overlayer_lowered;
	s6 =	simm.s32 $_tile_overlayer_lowered  }
0x9b: {  	s22 =	simm.s32 $0x1BFF;
	s21 =	sshll.u32 s6, $0x1;
	s3 =	sadd.s32 s4, s19  }
0x9c: {  	s7 =	simm.s32 $0x0;
	s20 =	sshll.u32 s5, $0x1;
	s5 =	sadd.s32 s21, s3  }
0x9d: {  	[timem:s7], [sflag:s22] =	dma.local [hbm:s5], s20  }
0x9e: {  	_ =	swait.ge [sflag:s22], s20  }
0x9f: {  	s4 =	ssub.s32 $0x0, s20;
	[sflag:s22] =	ssyncset.done $0x0  }
0xa0: {  	[sflag:s22] =	ssyncadd.s32 s4;
	_ =	sdelay $0x1  }
0xa1: {  	s23 =	simm.s32 $0x1B8B  }
0xa2: {  	_ =	swait.ge [sflag:s23], $0x1  }
0xa3: {  	[sflag:s23] =	ssyncset.done $0x0  }
0xa4: {  	s25 =	simm.s32 $0x1B8E;
	s24 =	sld [smem:$0x3FFE];
	[sflag:s23] =	ssyncadd.s32 $0xFFFFFFFF  }
0xa5: {  	s26 =	simm.s32 $execute0_lowered;
	[smem:$0x3FD2] =	sst s25  }
0xa6: {  	s5 =	sshll.u32 s26, $0x1;
	_ =	strace $0x80000046;
	[dreg:$0x1] =	wrdreg $0xFFFFFFFF  }
0xa7: {  	s28 =	simm.s32 $_size_execute0_lowered;
	s3 =	sadd.s32 s3, s5;
	[dreg:$0x0] =	wrdreg $0x0  }
0xa8: {  	s5 =	sshll.u32 s28, $0x1;
	[dreg:$0x2] =	wrdreg s3  }
0xa9: {  	[dreg:$0x3] =	wrdreg s5  }
0xaa: {  	[dreg:$0x4] =	wrdreg $0xC0  }
0xab: {  	_ =	task [dreg:s7], $0x5FFFF  }
0xac: {  	[dreg:$0x1] =	wrdreg $0xFFFFFFFF  }
0xad: {  	[dreg:$0x0] =	wrdreg $0x60  }
0xae: {  	[dreg:$0x2] =	wrdreg s2  }
0xaf: {  	[dreg:$0x3] =	wrdreg s24  }
0xb0: {  	[dreg:$0x4] =	wrdreg $0x9  }
0xb1: {  	_ =	task.clear_ibuf [dreg:s7], $0x5FFFF;
	_ =	strace $0x90000046  }
0xb2: {  	s29 =	simm.s32 $0x9;
	_ =	strace $0x80000048  }
0xb3: {  	_ =	swait.ge [sflag:s29], $0x1  }
0xb4: {  	[sflag:s29] =	ssyncadd.s32 $0xFFFFFFFF  }
0xb5: {  	_ =	strace $0x90000048  }
0xb6: {  	_ =	sfence  }
0xb7: {  	s30 =	sld [smem:$0x0];
	_ =	sdelay $0x2  }
0xb8: {  	s31 =	sshll.u32 s1, $0xD;
	s1 =	sshrl.u32 s1, $0x2  }
0xb9: {  	s3 =	sand.u32 $0x4000, s31;
	s1 =	sadd.s32 s1, s30  }
0xba: {  	s0 =	sor.u32 s3, s0;
	s1 =	sshll.u32 s1, $0x11  }
0xbb: {  	s0 =	sor.u32 s1, s0  }
0xbc: {  	s0 =	sadd.s32 $0x8F2B, s0  }
0xbd: {  	[sflag:s0] =	ssyncadd.remote.s32 $0x1  }
0xbe: {  	_ =	sfence.sel $0xFFFF  }
0xbf: {  	[dreg:$0x0] =	wrdreg $0xFFFFFFFF;
	(pc) =	sbr.abs _section_cstart, $3  }
0xc0: {  	[dreg:$0x1] =	wrdreg $0xFFFFFFFF  }
0xc1: {  	_ =	task.clear_ibuf [dreg:s7], $0x2FFFF;
	_ =	strace $0x9FFFFFFF  }
0xc2: {  	(tm) =	ssettm $0x7FFFFFFF  }
0xc3: {  	_ =	shalt  }
tec
execute0_lowered:
.L_overlay_start_1:
0x0: {  	(tag) =	ssettag $0x1  }
0x1: {  	s1 =	srdreg.scid;
	s2 =	rddreg [dreg:$0x0]  }
0x2: {  	s0 =	stileid.u32;
	s5 =	rddreg [dreg:$0x1];
	s6 =	simm.s32 $0x1  }
0x3: {  	s9 =	simm.s32 $0x1;
	s10 =	simm.s32 $0x3;
	s1 =	sshll.u32 s1, $0x6  }
0x4: {  	s13 =	simm.s32 $0x0;
	s3 =	sshll.u32 s0, $0x7;
	s4 =	sand.u32 $0x40, s1  }
0x5: {  	s12 =	simm.s32 $0x0;
	s1 =	rddreg [dreg:$0x2];
	s3 =	sor.u32 s3, s4  }
0x6: {  	_ =	strace $0x80000047;
	s4 =	sadd.s32 $0x7C00, s5;
	s8 =	ssub.s32 $0x1000, s3  }
.Ltmp0:
0x7: {  	s5 =	sadd.s32 $0x3200, s5;
	s7 =	sand.u32 $0x7C0, s8;
	(pc) =	sbr.rel .LBB2_1-.Ltmp0, $4  }
0x8: {  	[sflag:s6] =	ssyncpa.u1 $0x0;
	s11 =	smov.u32 s3;
	p0 =	sne.s32 s7, $0x0  }
0x9: {  	s8 =	sshrl.u32 s8, $0xB;
	s7 =	simm.s32 $0x2;
	s9 =	simm.s32 @!p0 $0x0  }
0xa: {  	[sflag:s7] =	ssyncpa.u1 $0x0;
	p0 =	por $0x0, $0x0;
	s8 =	sadd.s32 s9, s8  }
0xb: {  	vm0 =	vmmov $0xffff;
	[sflag:s10] =	ssyncpa.u1 $0x0;
	s10 =	simm.s32 $0x0;
	s9 =	sadd.s32 $0x1, s8  }
.LBB2_4:
0xc: {  	vm1 =	veq.s32 v0, $0x80000000;
	v63 =	vand.u32 $0xFFF, v0;
	v2 =	vand.u32 $0x3F, v2  }
0xd: {  	v0 =	vsel vm1, $0xFFFFFFFF, v63;
	v2 =	vsel vm1, $0xFFFFFFFF, v2  }
0xe: {  	v3 =	vshll.u32 v2, $0xC;
	v4 =	vshll.u32 v0, $0x3  }
0xf: {  	v2 =	vshll.u32 v2, $0x7;
	v3 =	vand.u32 $0xFFFF8000, v3;
	v4 =	vand.u32 $0xFFFFFC00, v4  }
0x10: {  	v2 =	vand.u32 $0x380, v2;
	v3 =	vadd.s32 v4, v3  }
0x11: {  	v0 =	vand.u32 $0x7F, v0;
	v2 =	vor.u32 v2, v3  }
0x12: {  	v0 =	vor.u32 v0, v2;
	_ =	sdelay $0x1  }
0x13: {  	(ifvalue) =	ssetifvalue $0x7FFFFFFF;
	s14 =	sadd.s32 $0x10, s14  }
0x14: {  	[tilespmem:s14], [sflag:$0x1] =	stream.indirect_vreg.gather [hbm4b:s2+s10], $0x1, v1, vm0, $0x4038;
	[tilespmem:$0x100] =	vst v63  }
0x15: {  	(ifvalue) =	ssetifvalue $0x7FFFFFFF;
	s14 =	sadd.s32 $0x10, s14  }
0x16: {  	[tilespmem:s14], [sflag:$0x1] =	stream.indirect_vreg.gather [hbm4b:s2+s10], $0x1, v0, vm0, $0x4038;
	[tilespmem:$0x100] =	vst v63  }
0x17: {  	_ =	swait.ge [sflag:s6], $0x40  }
0x18: {  	s30 =	sshrl.u32 s13, $0x3;
	[sflag:s6] =	ssyncset.done $0x0  }
0x19: {  	s31 =	sand.u32 $0x7, s13;
	s14 =	sadd.s32 s5, s30;
	[sflag:s6] =	ssyncadd.s32 $0xFFFFFFC0  }
0x1a: {  	[hbm4b:s14+s31] =	stream.linear.scatter [tilespmem:s15], [sflag:$0x3], $0x40, $0x38;
	[tilespmem:$0x100] =	vst v63  }
.LBB2_5:
0x1b: {  	s15 =	sadd.s32 $0x800, s11  }
0x1c: {  	p2 =	sgt.s32 s15, $0xFFF  }
0x1d: {  	s15 =	smov.u32 @p2 s3;
	p2 =	sne.s32 s12, s9  }
.Ltmp1:
0x1e: {  	p1 =	slt.u32 s12, $0x2;
	(pc) =	sbr.rel @!p2 .LBB2_6-.Ltmp1, $4  }
0x1f: {  	s14 =	simm.s32 @!p1 $0x3  }
0x20: {  	s16 =	sadd.s32 $0x1, s12;
	_ =	swait.ge @!p1 [sflag:s14], $0x40  }
0x21: {  	s13 =	smov.u32 s11;
	p0 =	por !p0, !p0;
	[sflag:s14] =	ssyncset.done @!p1 $0x0  }
0x22: {  	s12 =	smov.u32 s16;
	s11 =	smov.u32 s15;
	[sflag:s14] =	ssyncadd.s32 @!p1 $0xFFFFFFC0  }
.LBB2_1:
0x23: {  	p1 =	sge.u32 s12, s8  }
0x24: {  	s14 =	sxor.u32 @!p1 $0xFFFFFFFF, s12  }
0x25: {  	s31 =	sadd.s32 $0xFFFFFFFF, s12;
	s15 =	sshrl.u32 @!p1 s11, $0x3;
	s14 =	sshll.u32 @!p1 s14, $0x6  }
0x26: {  	s16 =	sand.u32 @!p1 $0x7, s11;
	s15 =	sadd.s32 @!p1 s4, s15;
	s14 =	sand.u32 @!p1 $0x40, s14  }
0x27: {  	[tilespmem:s14], [sflag:$0x2] =	stream.linear.gather @!p1 [hbm4b:s15+s16], $0x40, $0x38;
	[tilespmem:$0x100] =	vst v63  }
0x28: {  	p1 =	sge.u32 s31, s8  }
.Ltmp2:
0x29: {  	_ = 	snop;
	(pc) =	sbr.rel @p1 .LBB2_5-.Ltmp2, $1  }
0x2a: {  	_ =	sdelay $0x3  }
0x2b: {  	s14 =	simm.s32 $0x1  }
0x2c: {  	_ =	swait.ge [sflag:s7], $0x40;
	s14 =	simm.s32 @!p0 $0x0  }
0x2d: {  	[sflag:s7] =	ssyncset.done $0x0;
	s14 =	sshll.u32 s14, $0x6  }
0x2e: {  	[sflag:s7] =	ssyncadd.s32 $0xFFFFFFC0;
	(ifvalue) =	ssetifvalue $0x7FFFFFFF;
	v0 =	vld.msk [tilespmem:s14+$0x0 ss:$0x1], $0xffff;
	_ =	sdelay $0x4  }
0x2f: {  	s15 =	sadd.s32 $0x10, s14;
	v1 =	vshrl.u32 v0, $0xC  }
0x30: {  	v2 =	vld.msk [tilespmem:s15+$0x0 ss:$0x1], $0xffff;
	vm1 =	veq.s32 v0, $0x80000000;
	v0 =	vand.u32 $0xFFF, v0;
	v1 =	vand.u32 $0x3F, v1  }
0x31: {  	v0 =	vsel vm1, $0xFFFFFFFF, v0;
	v1 =	vsel vm1, $0xFFFFFFFF, v1  }
0x32: {  	v4 =	vshll.u32 v0, $0x3;
	v3 =	vshll.u32 v1, $0xC  }
0x33: {  	v4 =	vand.u32 $0xFFFFFC00, v4;
	v1 =	vshll.u32 v1, $0x7;
	v3 =	vand.u32 $0xFFFF8000, v3  }
0x34: {  	v0 =	vand.u32 $0x7F, v0;
	v1 =	vand.u32 $0x380, v1;
	v3 =	vadd.s32 v4, v3  }
0x35: {  	vm1 =	veq.s32 v2, $0x80000000;
	v1 =	vor.u32 v1, v3;
	v3 =	vshrl.u32 v2, $0xC  }
0x36: {  	s17 =	sadd.s32 $0x10, s15;
	v2 =	vand.u32 $0xFFF, v2;
	v1 =	vor.u32 v0, v1;
	v3 =	vand.u32 $0x3F, v3  }
0x37: {  	v0 =	vld.msk [tilespmem:s17+$0x0 ss:$0x1], $0xffff;
	v2 =	vsel vm1, $0xFFFFFFFF, v2;
	v3 =	vsel vm1, $0xFFFFFFFF, v3  }
0x38: {  	v5 =	vshll.u32 v2, $0x3;
	v63 =	vshll.u32 v3, $0xC  }
0x39: {  	s31 =	sshll.u32 s12, $0x6;
	v5 =	vand.u32 $0xFFFFFC00, v5;
	v3 =	vshll.u32 v3, $0x7;
	v4 =	vand.u32 $0xFFFF8000, v63  }
0x3a: {  	s14 =	sor.u32 $0x80, s14;
	s15 =	sand.u32 $0x40, s31;
	(ifvalue) =	ssetifvalue $0x7FFFFFFF;
	v3 =	vand.u32 $0x380, v3;
	v4 =	vadd.s32 v5, v4  }
0x3b: {  	[tilespmem:s14], [sflag:$0x1] =	stream.indirect_vreg.gather [hbm4b:s2+s10], $0x1, v1, vm0, $0x4038;
	v1 =	vand.u32 $0x7F, v2;
	v3 =	vor.u32 v3, v4;
	[tilespmem:$0x100] =	vst v63  }
0x3c: {  	s16 =	simm.s32 $0x20;
	s15 =	sor.u32 $0x80, s15;
	s17 =	sadd.s32 $0x10, s17;
	v2 =	vshrl.u32 v0, $0xC;
	v1 =	vor.u32 v1, v3  }
.LBB2_3:
0x3d: {  	s16 =	sadd.s32 $0x10, s16;
	vm1 =	veq.s32 v0, $0x80000000;
	v3 =	vand.u32 $0xFFF, v0;
	v0 =	vld.msk [tilespmem:s17+$0x0 ss:$0x1], $0xffff;
	v2 =	vand.u32 $0x3F, v2  }
0x3e: {  	p1 =	slt.u32 s16, $0x30;
	v3 =	vsel vm1, $0xFFFFFFFF, v3;
	v2 =	vsel vm1, $0xFFFFFFFF, v2  }
.Ltmp3:
0x3f: {  	v4 =	vshll.u32 v2, $0xC;
	v5 =	vshll.u32 v3, $0x3;
	(pc) =	sbr.rel @p1 .LBB2_3-.Ltmp3, $4  }
0x40: {  	s14 =	sadd.s32 $0x10, s14;
	v2 =	vshll.u32 v2, $0x7;
	v4 =	vand.u32 $0xFFFF8000, v4;
	v5 =	vand.u32 $0xFFFFFC00, v5;
	(ifvalue) =	ssetifvalue $0x7FFFFFFF  }
0x41: {  	v2 =	vand.u32 $0x380, v2;
	v4 =	vadd.s32 v5, v4;
	[tilespmem:s14], [sflag:$0x1] =	stream.indirect_vreg.gather [hbm4b:s2+s10], $0x1, v1, vm0, $0x4038;
	[tilespmem:$0x100] =	vst v63  }
0x42: {  	v1 =	vand.u32 $0x7F, v3;
	v3 =	vor.u32 v2, v4  }
0x43: {  	s17 =	sadd.s32 $0x10, s17;
	v2 =	vshrl.u32 v0, $0xC;
	v1 =	vor.u32 v1, v3  }
.Ltmp4:
0x44: {  	_ = 	snop;
	(pc) =	sbr.rel .LBB2_4-.Ltmp4, $1  }
0x45: {  	_ =	sdelay $0x3  }
.LBB2_6:
0x46: {  	_ =	sfence.sel $0x180000  }
0x47: {  	s2 =	simm.s32 $0x2;
	[bflag:$0x0] =	sbarrier.arrive $0xFFFF  }
0x48: {  	s30 =	simm.s32 $0x3;
	[sflag:s2] =	ssyncpa.u1 $0x1  }
0x49: {  	s31 =	simm.s32 $0x1;
	[sflag:s30] =	ssyncpa.u1 $0x1  }
0x4a: {  	[sflag:s31] =	ssyncpa.u1 $0x1  }
0x4b: {  	p0 =	sne.s32 s0, $0x0;
	_ =	strace $0x90000047  }
0x4c: {  	s0 =	sadd.s32 @!p0 $0x100000, s1;
	[bflag:$0x2] =	sbarrier.arrive $0xFFFF  }
0x4d: {  	[sflag:s0] =	ssyncadd.tile.s32 @!p0 $0x1;
	_ =	shalt  }
.Lfunc_end2:
_tile_overlayer_lowered:
.L_overlay_start_2:
0x4e: {  	(tag) =	ssettag $0x2  }
0x4f: {  	s0 =	rddreg [dreg:$0x0];
	s2 =	stileid.u32  }
0x50: {  	s1 =	rddreg [dreg:$0x1];
	p0 =	sne.s32 s2, $0x0  }
0x51: {  	s3 =	rddreg [dreg:$0x2];
	[bflag:$0x3] =	sbarrier.arrive $0xFFFF;
	s2 =	simm.s32 @!p0 $0x1C01  }
0x52: {  	[timem:s3], [sflag:s2] =	dma.local @!p0 [hbm:s0], s1  }
0x53: {  	s0 =	simm.s32 @!p0 $0x1  }
0x54: {  	_ =	swait.ge @!p0 [sflag:s0], s1  }
0x55: {  	s1 =	ssub.s32 @!p0 $0x0, s1;
	[sflag:s0] =	ssyncset.done @!p0 $0x0  }
0x56: {  	[sflag:s0] =	ssyncadd.s32 @!p0 s1  }
0x57: {  	[bflag:$0x3] =	sbarrier.arrive $0xFFFF  }
0x58: {  	_ =	shalt  }

</sc_bundles>
